<compile_context>
chip_gen: v7x
topology: tpu7x:2x2x1
jax: 0.10.2.dev20260603
libtpu: 0.0.44.dev20260713+nightly
codegen_flags: <defaults>
</compile_context>

<pallas_src>
import functools

import jax
import jax.numpy as jnp
from jax import lax
from jax.experimental import pallas as pl
from jax.experimental.pallas import tpu as pltpu
from jax.experimental.pallas import tpu_sc as plsc

_NUM_ITEMS = 8
_L = 512
_C = 128
_CHUNK = 64
_NCHUNK = _C // _CHUNK
_NACC = _CHUNK // 16
_UNROLL = 2
_NSPLIT = 2


def _build():
    mesh = plsc.VectorSubcoreMesh(
        core_axis_name="c", subcore_axis_name="s", num_cores=1)

    @functools.partial(
        pl.kernel,
        out_type=tuple(
            jax.ShapeDtypeStruct((1, _C), jnp.float32)
            for _ in range(_NUM_ITEMS)
        ),
        mesh=mesh,
        scratch_types=[
            pltpu.VMEM((_NUM_ITEMS, 2), jnp.int32),
            pltpu.VMEM((_L, _CHUNK), jnp.float32),
            pltpu.VMEM((_CHUNK,), jnp.float32),
        ] + [pltpu.SemaphoreType.DMA] * _NSPLIT,
        compiler_params=pltpu.CompilerParams(
            use_tc_tiling_on_sc=False, needs_layout_passes=False,
            disable_bounds_checks=True, disable_semaphore_checks=True,
            skip_device_barrier=True),
    )
    def run(in_hbm, starts_hbm, *refs):
        outs = refs[:_NUM_ITEMS]
        slices_v, block_v, acc_v = refs[_NUM_ITEMS:_NUM_ITEMS + 3]
        sems = refs[_NUM_ITEMS + 3:]

        wid = lax.axis_index("s")
        item = wid // _NCHUNK
        c0 = (wid % _NCHUNK) * _CHUNK

        pltpu.sync_copy(starts_hbm, slices_v)
        g = plsc.load_gather(
            slices_v,
            [jnp.full((16,), item, jnp.int32), jnp.zeros((16,), jnp.int32)])
        row = jnp.max(g)

        cps = []
        for h in range(_NSPLIT):
            r0 = h * (_L // _NSPLIT)
            cps.append(pltpu.async_copy(
                in_hbm.at[row, pl.ds(r0, _L // _NSPLIT), pl.ds(c0, _CHUNK)],
                block_v.at[pl.ds(r0, _L // _NSPLIT)], sems[h]))

        zeros = jnp.zeros((16,), jnp.float32)

        def body(t, carry):
            accs = list(carry)
            r = t * _UNROLL
            for k in range(_UNROLL):
                for j in range(_NACC):
                    accs[j] = accs[j] + block_v[r + k, pl.ds(16 * j, 16)]
            return tuple(accs)

        accs = (zeros,) * _NACC
        per = _L // _NSPLIT // _UNROLL
        for h in range(_NSPLIT):
            cps[h].wait()
            accs = lax.fori_loop(h * per, (h + 1) * per, body, accs)
        for j in range(_NACC):
            acc_v[pl.ds(16 * j, 16)] = accs[j]

        for k in range(_NUM_ITEMS):
            @pl.when(item == k)
            def _(k=k):
                pltpu.sync_copy(acc_v, outs[k].at[0, pl.ds(c0, _CHUNK)])

    return run


_run = _build()


def kernel(input, slices):
    return tuple(
        o.reshape(1, _C, 1) for o in _run(input, slices.astype(jnp.int32)))

# --- scband reference (transcript-rebuilt; emitter-appended) ---
"""Pipeline reference for scband-hierarchy-reduction1d-56332791054889 (READ-ONLY COPY).

The authoritative reference and input builder live on the scoring server;
editing this copy changes nothing except your own understanding.
"""

import jax, jax.numpy as jnp
import numpy as np


def setup_inputs(seed: int = 0) -> dict:
    key = jax.random.key(seed)
    k1, k2 = jax.random.split(key)
    input = jax.random.normal(k1, (1024, 512, 128), dtype=jnp.float32)
    # slices: arange fill -> pairs (0,1),(2,3),...,(14,15); each (i,j) is a valid i<j slice over the item dim
    slices = jnp.arange(16, dtype=jnp.int64).reshape(8, 2)
    return {"input": input, "slices": slices}


def reference(input, slices):
    # faithful translation of HierarchyReduction1d.forward with default reducer
    # reduction = input.transpose(1, 2).contiguous()
    reduction = jnp.transpose(input, (0, 2, 1))
    # reducer: torch.sum(input, dim=-1, keepdim=True)
    reduction = jnp.sum(reduction, axis=-1, keepdims=True)
    # torch.stack(reduction.unbind()) is identity on the batched tensor
    # level = [reduction[i:j] for i, j in slices]; nested tensor -> tuple of arrays
    # arange fill guarantees j - i == 1 for every pair, so each slice has static length 1
    level = tuple(
        jax.lax.dynamic_slice_in_dim(reduction, slices[i, 0], 1, axis=0)
        for i in range(slices.shape[0])
    )
    return level

if __name__ == "__main__":
    import jax
    _d = setup_inputs()
    print(jax.jit(kernel)(*tuple(_d.values())))

</pallas_src>

<mosaic_0001>
#map = affine_map<(d0, d1) -> (0, 0, 0)>
#map1 = affine_map<(d0, d1) -> (0, 0)>
module attributes {stable_mosaic.version = 14 : i64} {
  func.func @run(%arg0: i32, %arg1: i32, %arg2: memref<1024x512x128xf32, #tpu.memory_space<hbm>>, %arg3: memref<8x2xi32, #tpu.memory_space<hbm>>, %arg4: memref<1x128xf32, #tpu.memory_space<hbm>>, %arg5: memref<1x128xf32, #tpu.memory_space<hbm>>, %arg6: memref<1x128xf32, #tpu.memory_space<hbm>>, %arg7: memref<1x128xf32, #tpu.memory_space<hbm>>, %arg8: memref<1x128xf32, #tpu.memory_space<hbm>>, %arg9: memref<1x128xf32, #tpu.memory_space<hbm>>, %arg10: memref<1x128xf32, #tpu.memory_space<hbm>>, %arg11: memref<1x128xf32, #tpu.memory_space<hbm>>, %arg12: memref<8x2xi32, #tpu.memory_space<vmem>>, %arg13: memref<512x64xf32, #tpu.memory_space<vmem>>, %arg14: memref<64xf32, #tpu.memory_space<vmem>>, %arg15: memref<!tpu.dma_semaphore, #tpu.memory_space<semaphore_mem>>, %arg16: memref<!tpu.dma_semaphore, #tpu.memory_space<semaphore_mem>>) attributes {dimension_semantics = [#tpu.dimension_semantics<core_parallel>, #tpu.dimension_semantics<subcore_parallel>], iteration_bounds = array<i64: 1, 16>, scalar_prefetch = 0 : i64, scratch_operands = 5 : i64, tpu.core_type = #tpu.core_type<sc_vector_subcore>, window_params = [{transform_indices = #map}, {transform_indices = #map1}, {transform_indices = #map1}, {transform_indices = #map1}, {transform_indices = #map1}, {transform_indices = #map1}, {transform_indices = #map1}, {transform_indices = #map1}, {transform_indices = #map1}, {transform_indices = #map1}]} {
    %jit3A = arith.constant 2 : i32
    %div3A = arith.divsi %arg1, %jit3A : i32
    %sign3A = arith.constant 0 : i32
    %sign3A_0 = arith.cmpi sgt, %arg1, %sign3A : i32
    %sign3A_1 = arith.extui %sign3A_0 : i1 to i32
    %sign3A_2 = arith.constant 0 : i32
    %sign3A_3 = arith.cmpi slt, %arg1, %sign3A_2 : i32
    %sign3A_4 = arith.extui %sign3A_3 : i1 to i32
    %sign3A_5 = arith.subi %sign3A_1, %sign3A_4 : i32
    %sign3A_6 = arith.constant 0 : i32
    %sign3A_7 = arith.cmpi sgt, %jit3A, %sign3A_6 : i32
    %sign3A_8 = arith.extui %sign3A_7 : i1 to i32
    %sign3A_9 = arith.constant 0 : i32
    %sign3A_10 = arith.cmpi slt, %jit3A, %sign3A_9 : i32
    %sign3A_11 = arith.extui %sign3A_10 : i1 to i32
    %sign3A_12 = arith.subi %sign3A_8, %sign3A_11 : i32
    %ne3A = arith.cmpi ne, %sign3A_5, %sign3A_12 : i32
    %rem3A = arith.remsi %arg1, %jit3A : i32
    %ne3A_13 = arith.constant 0 : i32
    %ne3A_14 = arith.cmpi ne, %rem3A, %ne3A_13 : i32
    %and3A = arith.andi %ne3A, %ne3A_14 : i1
    %sub3A = arith.constant 1 : i32
    %sub3A_15 = arith.subi %div3A, %sub3A : i32
    %select_n3A = arith.select %and3A, %sub3A_15, %div3A : i32
    %jit3A_16 = arith.constant 2 : i32
    %eq3A = arith.constant 0 : i32
    %eq3A_17 = arith.cmpi eq, %jit3A_16, %eq3A : i32
    %jit3A_18 = arith.constant 1 : i32
    %select_n3A_19 = arith.select %eq3A_17, %jit3A_18, %jit3A_16 : i32
    %rem3A_20 = arith.remsi %arg1, %select_n3A_19 : i32
    %ne3A_21 = arith.constant 0 : i32
    %ne3A_22 = arith.cmpi ne, %rem3A_20, %ne3A_21 : i32
    %lt3A = arith.constant 0 : i32
    %lt3A_23 = arith.cmpi slt, %rem3A_20, %lt3A : i32
    %lt3A_24 = arith.constant 0 : i32
    %lt3A_25 = arith.cmpi slt, %select_n3A_19, %lt3A_24 : i32
    %ne3A_26 = arith.xori %lt3A_23, %lt3A_25 : i1
    %and3A_27 = arith.andi %ne3A_26, %ne3A_22 : i1
    %add3A = arith.addi %rem3A_20, %select_n3A_19 : i32
    %select_n3A_28 = arith.select %and3A_27, %add3A, %rem3A_20 : i32
    %mul3A = arith.constant 64 : i32
    %mul3A_29 = arith.muli %select_n3A_28, %mul3A : i32
    "tpu.region"() ({
      %run_scoped3A = tpu.sem_alloc : memref<!tpu.dma_semaphore, #tpu.memory_space<semaphore_mem>>
      tpu.enqueue_dma source(%arg3 : memref<8x2xi32, #tpu.memory_space<hbm>>) target(%arg12 : memref<8x2xi32, #tpu.memory_space<vmem>>) target_semaphore(%run_scoped3A : memref<!tpu.dma_semaphore, #tpu.memory_space<semaphore_mem>>)
      tpu.wait_dma2 semaphore(%run_scoped3A : memref<!tpu.dma_semaphore, #tpu.memory_space<semaphore_mem>>) src(%arg3 : memref<8x2xi32, #tpu.memory_space<hbm>>) dst(%arg12 : memref<8x2xi32, #tpu.memory_space<vmem>>)
      tpu.yield
    }) : () -> ()
    %broadcast_in_dim3A = vector.broadcast %select_n3A : i32 to vector<16xi32>
    %broadcast_in_dim3A_30 = arith.constant 0 : i32
    %broadcast_in_dim3A_31 = vector.broadcast %broadcast_in_dim3A_30 : i32 to vector<16xi32>
    %gather3A = tpu.vector_load_idx %arg12[%broadcast_in_dim3A, %broadcast_in_dim3A_31] : memref<8x2xi32, #tpu.memory_space<vmem>>[vector<16xi32>, vector<16xi32>], vector<16xi32>,
    %reduce_max3A = arith.constant true
    %reduce_max3A_32 = vector.broadcast %reduce_max3A : i1 to vector<16xi1>
    %reduce_max3A_33 = arith.constant -2147483648 : i32
    %reduce_max3A_34 = vector.broadcast %reduce_max3A_33 : i32 to vector<16xi32>
    %reduce_max3A_35 = arith.xori %gather3A, %reduce_max3A_34 : vector<16xi32>
    %reduce_max3A_36 = tpu.scan <max>, %reduce_max3A_35 masked %reduce_max3A_32 : vector<16xi32>, vector<16xi1> -> vector<16xi32>
    %reduce_max3A_37 = arith.xori %reduce_max3A_36, %reduce_max3A_34 : vector<16xi32>
    %reduce_max3A_38 = vector.extract %reduce_max3A_37[15] : i32 from vector<16xi32>
    %dma_start3A = arith.constant 0 : i32
    %dma_start3A_39 = arith.constant 0 : i32
    %dma_start3A_40 = tpu.memref_slice %arg13[%dma_start3A, %dma_start3A_39] : memref<512x64xf32, #tpu.memory_space<vmem>> -> memref<256x64xf32, #tpu.memory_space<vmem>>
    %dma_start3A_41 = arith.constant 0 : i32
    %dma_start3A_42 = tpu.memref_slice %arg2[%reduce_max3A_38, %dma_start3A_41, %mul3A_29] : memref<1024x512x128xf32, #tpu.memory_space<hbm>> -> memref<1x256x64xf32, #tpu.memory_space<hbm>>
    %dma_start3A_43 = tpu.memref_squeeze %dma_start3A_42 : memref<1x256x64xf32, #tpu.memory_space<hbm>> -> memref<256x64xf32, #tpu.memory_space<hbm>>
    %dma_start3A_44 = arith.constant 0 : i32
    %dma_start3A_45 = arith.constant 0 : i32
    %dma_start3A_46 = tpu.memref_slice %arg13[%dma_start3A_44, %dma_start3A_45] : memref<512x64xf32, #tpu.memory_space<vmem>> -> memref<256x64xf32, #tpu.memory_space<vmem>>
    %dma_start3A_47 = arith.constant 0 : i32
    %dma_start3A_48 = tpu.memref_slice %arg2[%reduce_max3A_38, %dma_start3A_47, %mul3A_29] : memref<1024x512x128xf32, #tpu.memory_space<hbm>> -> memref<1x256x64xf32, #tpu.memory_space<hbm>>
    %dma_start3A_49 = tpu.memref_squeeze %dma_start3A_48 : memref<1x256x64xf32, #tpu.memory_space<hbm>> -> memref<256x64xf32, #tpu.memory_space<hbm>>
    tpu.enqueue_dma source(%dma_start3A_49 : memref<256x64xf32, #tpu.memory_space<hbm>>) target(%dma_start3A_46 : memref<256x64xf32, #tpu.memory_space<vmem>>) target_semaphore(%arg15 : memref<!tpu.dma_semaphore, #tpu.memory_space<semaphore_mem>>)
    %dma_start3A_50 = arith.constant 256 : i32
    %dma_start3A_51 = arith.constant 0 : i32
    %dma_start3A_52 = tpu.memref_slice %arg13[%dma_start3A_50, %dma_start3A_51] : memref<512x64xf32, #tpu.memory_space<vmem>> -> memref<256x64xf32, #tpu.memory_space<vmem>>
    %dma_start3A_53 = arith.constant 256 : i32
    %dma_start3A_54 = tpu.memref_slice %arg2[%reduce_max3A_38, %dma_start3A_53, %mul3A_29] : memref<1024x512x128xf32, #tpu.memory_space<hbm>> -> memref<1x256x64xf32, #tpu.memory_space<hbm>>
    %dma_start3A_55 = tpu.memref_squeeze %dma_start3A_54 : memref<1x256x64xf32, #tpu.memory_space<hbm>> -> memref<256x64xf32, #tpu.memory_space<hbm>>
    %dma_start3A_56 = arith.constant 256 : i32
    %dma_start3A_57 = arith.constant 0 : i32
    %dma_start3A_58 = tpu.memref_slice %arg13[%dma_start3A_56, %dma_start3A_57] : memref<512x64xf32, #tpu.memory_space<vmem>> -> memref<256x64xf32, #tpu.memory_space<vmem>>
    %dma_start3A_59 = arith.constant 256 : i32
    %dma_start3A_60 = tpu.memref_slice %arg2[%reduce_max3A_38, %dma_start3A_59, %mul3A_29] : memref<1024x512x128xf32, #tpu.memory_space<hbm>> -> memref<1x256x64xf32, #tpu.memory_space<hbm>>
    %dma_start3A_61 = tpu.memref_squeeze %dma_start3A_60 : memref<1x256x64xf32, #tpu.memory_space<hbm>> -> memref<256x64xf32, #tpu.memory_space<hbm>>
    tpu.enqueue_dma source(%dma_start3A_61 : memref<256x64xf32, #tpu.memory_space<hbm>>) target(%dma_start3A_58 : memref<256x64xf32, #tpu.memory_space<vmem>>) target_semaphore(%arg16 : memref<!tpu.dma_semaphore, #tpu.memory_space<semaphore_mem>>)
    %broadcast_in_dim3A_62 = arith.constant 0.000000e+00 : f32
    %broadcast_in_dim3A_63 = vector.broadcast %broadcast_in_dim3A_62 : f32 to vector<16xf32>
    %dma_wait3A = arith.constant 0 : i32
    %dma_wait3A_64 = arith.constant 0 : i32
    %dma_wait3A_65 = tpu.memref_slice %arg13[%dma_wait3A, %dma_wait3A_64] : memref<512x64xf32, #tpu.memory_space<vmem>> -> memref<256x64xf32, #tpu.memory_space<vmem>>
    %dma_wait3A_66 = arith.constant 0 : i32
    %dma_wait3A_67 = tpu.memref_slice %arg2[%reduce_max3A_38, %dma_wait3A_66, %mul3A_29] : memref<1024x512x128xf32, #tpu.memory_space<hbm>> -> memref<1x256x64xf32, #tpu.memory_space<hbm>>
    %dma_wait3A_68 = tpu.memref_squeeze %dma_wait3A_67 : memref<1x256x64xf32, #tpu.memory_space<hbm>> -> memref<256x64xf32, #tpu.memory_space<hbm>>
    %dma_wait3A_69 = arith.constant 0 : i32
    %dma_wait3A_70 = arith.constant 0 : i32
    %dma_wait3A_71 = tpu.memref_slice %arg13[%dma_wait3A_69, %dma_wait3A_70] : memref<512x64xf32, #tpu.memory_space<vmem>> -> memref<256x64xf32, #tpu.memory_space<vmem>>
    %dma_wait3A_72 = arith.constant 0 : i32
    %dma_wait3A_73 = tpu.memref_slice %arg2[%reduce_max3A_38, %dma_wait3A_72, %mul3A_29] : memref<1024x512x128xf32, #tpu.memory_space<hbm>> -> memref<1x256x64xf32, #tpu.memory_space<hbm>>
    %dma_wait3A_74 = tpu.memref_squeeze %dma_wait3A_73 : memref<1x256x64xf32, #tpu.memory_space<hbm>> -> memref<256x64xf32, #tpu.memory_space<hbm>>
    tpu.wait_dma2 semaphore(%arg15 : memref<!tpu.dma_semaphore, #tpu.memory_space<semaphore_mem>>) src(%dma_wait3A_74 : memref<256x64xf32, #tpu.memory_space<hbm>>) dst(%dma_wait3A_71 : memref<256x64xf32, #tpu.memory_space<vmem>>)
    %scan3A = arith.constant 0 : i32
    %scan3A_75 = arith.constant 128 : i32
    %scan3A_76 = arith.addi %scan3A, %scan3A_75 : i32
    %scan3A_77 = arith.constant 1 : i32
    %scan3A_78:4 = scf.for %scan3A_143 = %scan3A to %scan3A_76 step %scan3A_77 iter_args(%scan3A_144 = %broadcast_in_dim3A_63, %scan3A_145 = %broadcast_in_dim3A_63, %scan3A_146 = %broadcast_in_dim3A_63, %scan3A_147 = %broadcast_in_dim3A_63) -> (vector<16xf32>, vector<16xf32>, vector<16xf32>, vector<16xf32>)  : i32 {
      %mul3A_148 = arith.constant 2 : i32
      %mul3A_149 = arith.muli %scan3A_143, %mul3A_148 : i32
      %add3A_150 = arith.constant 0 : i32
      %add3A_151 = arith.addi %mul3A_149, %add3A_150 : i32
      %get3A = arith.index_cast %add3A_151 : i32 to index
      %get3A_152 = arith.constant 0 : index
      %get3A_153 = tpu.vector_load %arg13[%get3A, %get3A_152] {strides = array<i32>} : memref<512x64xf32, #tpu.memory_space<vmem>>, vector<16xf32>,
      %add3A_154 = arith.addf %scan3A_144, %get3A_153 : vector<16xf32>
      %add3A_155 = arith.constant 0 : i32
      %add3A_156 = arith.addi %mul3A_149, %add3A_155 : i32
      %get3A_157 = arith.index_cast %add3A_156 : i32 to index
      %get3A_158 = arith.constant 16 : index
      %get3A_159 = tpu.vector_load %arg13[%get3A_157, %get3A_158] {strides = array<i32>} : memref<512x64xf32, #tpu.memory_space<vmem>>, vector<16xf32>,
      %add3A_160 = arith.addf %scan3A_145, %get3A_159 : vector<16xf32>
      %add3A_161 = arith.constant 0 : i32
      %add3A_162 = arith.addi %mul3A_149, %add3A_161 : i32
      %get3A_163 = arith.index_cast %add3A_162 : i32 to index
      %get3A_164 = arith.constant 32 : index
      %get3A_165 = tpu.vector_load %arg13[%get3A_163, %get3A_164] {strides = array<i32>} : memref<512x64xf32, #tpu.memory_space<vmem>>, vector<16xf32>,
      %add3A_166 = arith.addf %scan3A_146, %get3A_165 : vector<16xf32>
      %add3A_167 = arith.constant 0 : i32
      %add3A_168 = arith.addi %mul3A_149, %add3A_167 : i32
      %get3A_169 = arith.index_cast %add3A_168 : i32 to index
      %get3A_170 = arith.constant 48 : index
      %get3A_171 = tpu.vector_load %arg13[%get3A_169, %get3A_170] {strides = array<i32>} : memref<512x64xf32, #tpu.memory_space<vmem>>, vector<16xf32>,
      %add3A_172 = arith.addf %scan3A_147, %get3A_171 : vector<16xf32>
      %add3A_173 = arith.constant 1 : i32
      %add3A_174 = arith.addi %mul3A_149, %add3A_173 : i32
      %get3A_175 = arith.index_cast %add3A_174 : i32 to index
      %get3A_176 = arith.constant 0 : index
      %get3A_177 = tpu.vector_load %arg13[%get3A_175, %get3A_176] {strides = array<i32>} : memref<512x64xf32, #tpu.memory_space<vmem>>, vector<16xf32>,
      %add3A_178 = arith.addf %add3A_154, %get3A_177 : vector<16xf32>
      %add3A_179 = arith.constant 1 : i32
      %add3A_180 = arith.addi %mul3A_149, %add3A_179 : i32
      %get3A_181 = arith.index_cast %add3A_180 : i32 to index
      %get3A_182 = arith.constant 16 : index
      %get3A_183 = tpu.vector_load %arg13[%get3A_181, %get3A_182] {strides = array<i32>} : memref<512x64xf32, #tpu.memory_space<vmem>>, vector<16xf32>,
      %add3A_184 = arith.addf %add3A_160, %get3A_183 : vector<16xf32>
      %add3A_185 = arith.constant 1 : i32
      %add3A_186 = arith.addi %mul3A_149, %add3A_185 : i32
      %get3A_187 = arith.index_cast %add3A_186 : i32 to index
      %get3A_188 = arith.constant 32 : index
      %get3A_189 = tpu.vector_load %arg13[%get3A_187, %get3A_188] {strides = array<i32>} : memref<512x64xf32, #tpu.memory_space<vmem>>, vector<16xf32>,
      %add3A_190 = arith.addf %add3A_166, %get3A_189 : vector<16xf32>
      %add3A_191 = arith.constant 1 : i32
      %add3A_192 = arith.addi %mul3A_149, %add3A_191 : i32
      %get3A_193 = arith.index_cast %add3A_192 : i32 to index
      %get3A_194 = arith.constant 48 : index
      %get3A_195 = tpu.vector_load %arg13[%get3A_193, %get3A_194] {strides = array<i32>} : memref<512x64xf32, #tpu.memory_space<vmem>>, vector<16xf32>,
      %add3A_196 = arith.addf %add3A_172, %get3A_195 : vector<16xf32>
      scf.yield %add3A_178, %add3A_184, %add3A_190, %add3A_196 : vector<16xf32>, vector<16xf32>, vector<16xf32>, vector<16xf32>
    }
    %scan3A_79 = arith.constant 128 : i32
    %dma_wait3A_80 = arith.constant 256 : i32
    %dma_wait3A_81 = arith.constant 0 : i32
    %dma_wait3A_82 = tpu.memref_slice %arg13[%dma_wait3A_80, %dma_wait3A_81] : memref<512x64xf32, #tpu.memory_space<vmem>> -> memref<256x64xf32, #tpu.memory_space<vmem>>
    %dma_wait3A_83 = arith.constant 256 : i32
    %dma_wait3A_84 = tpu.memref_slice %arg2[%reduce_max3A_38, %dma_wait3A_83, %mul3A_29] : memref<1024x512x128xf32, #tpu.memory_space<hbm>> -> memref<1x256x64xf32, #tpu.memory_space<hbm>>
    %dma_wait3A_85 = tpu.memref_squeeze %dma_wait3A_84 : memref<1x256x64xf32, #tpu.memory_space<hbm>> -> memref<256x64xf32, #tpu.memory_space<hbm>>
    %dma_wait3A_86 = arith.constant 256 : i32
    %dma_wait3A_87 = arith.constant 0 : i32
    %dma_wait3A_88 = tpu.memref_slice %arg13[%dma_wait3A_86, %dma_wait3A_87] : memref<512x64xf32, #tpu.memory_space<vmem>> -> memref<256x64xf32, #tpu.memory_space<vmem>>
    %dma_wait3A_89 = arith.constant 256 : i32
    %dma_wait3A_90 = tpu.memref_slice %arg2[%reduce_max3A_38, %dma_wait3A_89, %mul3A_29] : memref<1024x512x128xf32, #tpu.memory_space<hbm>> -> memref<1x256x64xf32, #tpu.memory_space<hbm>>
    %dma_wait3A_91 = tpu.memref_squeeze %dma_wait3A_90 : memref<1x256x64xf32, #tpu.memory_space<hbm>> -> memref<256x64xf32, #tpu.memory_space<hbm>>
    tpu.wait_dma2 semaphore(%arg16 : memref<!tpu.dma_semaphore, #tpu.memory_space<semaphore_mem>>) src(%dma_wait3A_91 : memref<256x64xf32, #tpu.memory_space<hbm>>) dst(%dma_wait3A_88 : memref<256x64xf32, #tpu.memory_space<vmem>>)
    %scan3A_92 = arith.constant 128 : i32
    %scan3A_93 = arith.constant 128 : i32
    %scan3A_94 = arith.addi %scan3A_92, %scan3A_93 : i32
    %scan3A_95 = arith.constant 1 : i32
    %scan3A_96:4 = scf.for %scan3A_143 = %scan3A_92 to %scan3A_94 step %scan3A_95 iter_args(%scan3A_144 = %scan3A_78#0, %scan3A_145 = %scan3A_78#1, %scan3A_146 = %scan3A_78#2, %scan3A_147 = %scan3A_78#3) -> (vector<16xf32>, vector<16xf32>, vector<16xf32>, vector<16xf32>)  : i32 {
      %mul3A_148 = arith.constant 2 : i32
      %mul3A_149 = arith.muli %scan3A_143, %mul3A_148 : i32
      %add3A_150 = arith.constant 0 : i32
      %add3A_151 = arith.addi %mul3A_149, %add3A_150 : i32
      %get3A = arith.index_cast %add3A_151 : i32 to index
      %get3A_152 = arith.constant 0 : index
      %get3A_153 = tpu.vector_load %arg13[%get3A, %get3A_152] {strides = array<i32>} : memref<512x64xf32, #tpu.memory_space<vmem>>, vector<16xf32>,
      %add3A_154 = arith.addf %scan3A_144, %get3A_153 : vector<16xf32>
      %add3A_155 = arith.constant 0 : i32
      %add3A_156 = arith.addi %mul3A_149, %add3A_155 : i32
      %get3A_157 = arith.index_cast %add3A_156 : i32 to index
      %get3A_158 = arith.constant 16 : index
      %get3A_159 = tpu.vector_load %arg13[%get3A_157, %get3A_158] {strides = array<i32>} : memref<512x64xf32, #tpu.memory_space<vmem>>, vector<16xf32>,
      %add3A_160 = arith.addf %scan3A_145, %get3A_159 : vector<16xf32>
      %add3A_161 = arith.constant 0 : i32
      %add3A_162 = arith.addi %mul3A_149, %add3A_161 : i32
      %get3A_163 = arith.index_cast %add3A_162 : i32 to index
      %get3A_164 = arith.constant 32 : index
      %get3A_165 = tpu.vector_load %arg13[%get3A_163, %get3A_164] {strides = array<i32>} : memref<512x64xf32, #tpu.memory_space<vmem>>, vector<16xf32>,
      %add3A_166 = arith.addf %scan3A_146, %get3A_165 : vector<16xf32>
      %add3A_167 = arith.constant 0 : i32
      %add3A_168 = arith.addi %mul3A_149, %add3A_167 : i32
      %get3A_169 = arith.index_cast %add3A_168 : i32 to index
      %get3A_170 = arith.constant 48 : index
      %get3A_171 = tpu.vector_load %arg13[%get3A_169, %get3A_170] {strides = array<i32>} : memref<512x64xf32, #tpu.memory_space<vmem>>, vector<16xf32>,
      %add3A_172 = arith.addf %scan3A_147, %get3A_171 : vector<16xf32>
      %add3A_173 = arith.constant 1 : i32
      %add3A_174 = arith.addi %mul3A_149, %add3A_173 : i32
      %get3A_175 = arith.index_cast %add3A_174 : i32 to index
      %get3A_176 = arith.constant 0 : index
      %get3A_177 = tpu.vector_load %arg13[%get3A_175, %get3A_176] {strides = array<i32>} : memref<512x64xf32, #tpu.memory_space<vmem>>, vector<16xf32>,
      %add3A_178 = arith.addf %add3A_154, %get3A_177 : vector<16xf32>
      %add3A_179 = arith.constant 1 : i32
      %add3A_180 = arith.addi %mul3A_149, %add3A_179 : i32
      %get3A_181 = arith.index_cast %add3A_180 : i32 to index
      %get3A_182 = arith.constant 16 : index
      %get3A_183 = tpu.vector_load %arg13[%get3A_181, %get3A_182] {strides = array<i32>} : memref<512x64xf32, #tpu.memory_space<vmem>>, vector<16xf32>,
      %add3A_184 = arith.addf %add3A_160, %get3A_183 : vector<16xf32>
      %add3A_185 = arith.constant 1 : i32
      %add3A_186 = arith.addi %mul3A_149, %add3A_185 : i32
      %get3A_187 = arith.index_cast %add3A_186 : i32 to index
      %get3A_188 = arith.constant 32 : index
      %get3A_189 = tpu.vector_load %arg13[%get3A_187, %get3A_188] {strides = array<i32>} : memref<512x64xf32, #tpu.memory_space<vmem>>, vector<16xf32>,
      %add3A_190 = arith.addf %add3A_166, %get3A_189 : vector<16xf32>
      %add3A_191 = arith.constant 1 : i32
      %add3A_192 = arith.addi %mul3A_149, %add3A_191 : i32
      %get3A_193 = arith.index_cast %add3A_192 : i32 to index
      %get3A_194 = arith.constant 48 : index
      %get3A_195 = tpu.vector_load %arg13[%get3A_193, %get3A_194] {strides = array<i32>} : memref<512x64xf32, #tpu.memory_space<vmem>>, vector<16xf32>,
      %add3A_196 = arith.addf %add3A_172, %get3A_195 : vector<16xf32>
      scf.yield %add3A_178, %add3A_184, %add3A_190, %add3A_196 : vector<16xf32>, vector<16xf32>, vector<16xf32>, vector<16xf32>
    }
    %scan3A_97 = arith.constant 128 : i32
    %swap3A = arith.constant 0 : index
    %swap3A_98 = tpu.vector_load %arg14[%swap3A] {strides = array<i32>} : memref<64xf32, #tpu.memory_space<vmem>>, vector<16xf32>,
    tpu.vector_store %arg14[%swap3A], %scan3A_96#0 {strides = array<i32>} : memref<64xf32, #tpu.memory_space<vmem>>, vector<16xf32>,
    %swap3A_99 = arith.constant 16 : index
    %swap3A_100 = tpu.vector_load %arg14[%swap3A_99] {strides = array<i32>} : memref<64xf32, #tpu.memory_space<vmem>>, vector<16xf32>,
    tpu.vector_store %arg14[%swap3A_99], %scan3A_96#1 {strides = array<i32>} : memref<64xf32, #tpu.memory_space<vmem>>, vector<16xf32>,
    %swap3A_101 = arith.constant 32 : index
    %swap3A_102 = tpu.vector_load %arg14[%swap3A_101] {strides = array<i32>} : memref<64xf32, #tpu.memory_space<vmem>>, vector<16xf32>,
    tpu.vector_store %arg14[%swap3A_101], %scan3A_96#2 {strides = array<i32>} : memref<64xf32, #tpu.memory_space<vmem>>, vector<16xf32>,
    %swap3A_103 = arith.constant 48 : index
    %swap3A_104 = tpu.vector_load %arg14[%swap3A_103] {strides = array<i32>} : memref<64xf32, #tpu.memory_space<vmem>>, vector<16xf32>,
    tpu.vector_store %arg14[%swap3A_103], %scan3A_96#3 {strides = array<i32>} : memref<64xf32, #tpu.memory_space<vmem>>, vector<16xf32>,
    %eq3A_105 = arith.constant 0 : i32
    %eq3A_106 = arith.cmpi eq, %select_n3A, %eq3A_105 : i32
    %convert_element_type3A = arith.extui %eq3A_106 : i1 to i32
    %cond3A = arith.constant 0 : i32
    %cond3A_107 = arith.cmpi ne, %convert_element_type3A, %cond3A : i32
    scf.if %cond3A_107 {
      %run_scoped3A = arith.constant 0 : i32
      "tpu.region"() ({
        %run_scoped3A_143 = tpu.sem_alloc : memref<!tpu.dma_semaphore, #tpu.memory_space<semaphore_mem>>
        %dma_start3A_144 = tpu.memref_slice %arg4[%run_scoped3A, %mul3A_29] : memref<1x128xf32, #tpu.memory_space<hbm>> -> memref<1x64xf32, #tpu.memory_space<hbm>>
        %dma_start3A_145 = tpu.memref_squeeze %dma_start3A_144 : memref<1x64xf32, #tpu.memory_space<hbm>> -> memref<64xf32, #tpu.memory_space<hbm>>
        %dma_start3A_146 = tpu.memref_slice %arg4[%run_scoped3A, %mul3A_29] : memref<1x128xf32, #tpu.memory_space<hbm>> -> memref<1x64xf32, #tpu.memory_space<hbm>>
        %dma_start3A_147 = tpu.memref_squeeze %dma_start3A_146 : memref<1x64xf32, #tpu.memory_space<hbm>> -> memref<64xf32, #tpu.memory_space<hbm>>
        tpu.enqueue_dma source(%arg14 : memref<64xf32, #tpu.memory_space<vmem>>) target(%dma_start3A_147 : memref<64xf32, #tpu.memory_space<hbm>>) target_semaphore(%run_scoped3A_143 : memref<!tpu.dma_semaphore, #tpu.memory_space<semaphore_mem>>)
        %dma_wait3A_148 = tpu.memref_slice %arg4[%run_scoped3A, %mul3A_29] : memref<1x128xf32, #tpu.memory_space<hbm>> -> memref<1x64xf32, #tpu.memory_space<hbm>>
        %dma_wait3A_149 = tpu.memref_squeeze %dma_wait3A_148 : memref<1x64xf32, #tpu.memory_space<hbm>> -> memref<64xf32, #tpu.memory_space<hbm>>
        %dma_wait3A_150 = tpu.memref_slice %arg4[%run_scoped3A, %mul3A_29] : memref<1x128xf32, #tpu.memory_space<hbm>> -> memref<1x64xf32, #tpu.memory_space<hbm>>
        %dma_wait3A_151 = tpu.memref_squeeze %dma_wait3A_150 : memref<1x64xf32, #tpu.memory_space<hbm>> -> memref<64xf32, #tpu.memory_space<hbm>>
        tpu.wait_dma2 semaphore(%run_scoped3A_143 : memref<!tpu.dma_semaphore, #tpu.memory_space<semaphore_mem>>) src(%arg14 : memref<64xf32, #tpu.memory_space<vmem>>) dst(%dma_wait3A_151 : memref<64xf32, #tpu.memory_space<hbm>>)
        tpu.yield
      }) : () -> ()
    } else {
    }
    %eq3A_108 = arith.constant 1 : i32
    %eq3A_109 = arith.cmpi eq, %select_n3A, %eq3A_108 : i32
    %convert_element_type3A_110 = arith.extui %eq3A_109 : i1 to i32
    %cond3A_111 = arith.constant 0 : i32
    %cond3A_112 = arith.cmpi ne, %convert_element_type3A_110, %cond3A_111 : i32
    scf.if %cond3A_112 {
      %run_scoped3A = arith.constant 0 : i32
      "tpu.region"() ({
        %run_scoped3A_143 = tpu.sem_alloc : memref<!tpu.dma_semaphore, #tpu.memory_space<semaphore_mem>>
        %dma_start3A_144 = tpu.memref_slice %arg5[%run_scoped3A, %mul3A_29] : memref<1x128xf32, #tpu.memory_space<hbm>> -> memref<1x64xf32, #tpu.memory_space<hbm>>
        %dma_start3A_145 = tpu.memref_squeeze %dma_start3A_144 : memref<1x64xf32, #tpu.memory_space<hbm>> -> memref<64xf32, #tpu.memory_space<hbm>>
        %dma_start3A_146 = tpu.memref_slice %arg5[%run_scoped3A, %mul3A_29] : memref<1x128xf32, #tpu.memory_space<hbm>> -> memref<1x64xf32, #tpu.memory_space<hbm>>
        %dma_start3A_147 = tpu.memref_squeeze %dma_start3A_146 : memref<1x64xf32, #tpu.memory_space<hbm>> -> memref<64xf32, #tpu.memory_space<hbm>>
        tpu.enqueue_dma source(%arg14 : memref<64xf32, #tpu.memory_space<vmem>>) target(%dma_start3A_147 : memref<64xf32, #tpu.memory_space<hbm>>) target_semaphore(%run_scoped3A_143 : memref<!tpu.dma_semaphore, #tpu.memory_space<semaphore_mem>>)
        %dma_wait3A_148 = tpu.memref_slice %arg5[%run_scoped3A, %mul3A_29] : memref<1x128xf32, #tpu.memory_space<hbm>> -> memref<1x64xf32, #tpu.memory_space<hbm>>
        %dma_wait3A_149 = tpu.memref_squeeze %dma_wait3A_148 : memref<1x64xf32, #tpu.memory_space<hbm>> -> memref<64xf32, #tpu.memory_space<hbm>>
        %dma_wait3A_150 = tpu.memref_slice %arg5[%run_scoped3A, %mul3A_29] : memref<1x128xf32, #tpu.memory_space<hbm>> -> memref<1x64xf32, #tpu.memory_space<hbm>>
        %dma_wait3A_151 = tpu.memref_squeeze %dma_wait3A_150 : memref<1x64xf32, #tpu.memory_space<hbm>> -> memref<64xf32, #tpu.memory_space<hbm>>
        tpu.wait_dma2 semaphore(%run_scoped3A_143 : memref<!tpu.dma_semaphore, #tpu.memory_space<semaphore_mem>>) src(%arg14 : memref<64xf32, #tpu.memory_space<vmem>>) dst(%dma_wait3A_151 : memref<64xf32, #tpu.memory_space<hbm>>)
        tpu.yield
      }) : () -> ()
    } else {
    }
    %eq3A_113 = arith.constant 2 : i32
    %eq3A_114 = arith.cmpi eq, %select_n3A, %eq3A_113 : i32
    %convert_element_type3A_115 = arith.extui %eq3A_114 : i1 to i32
    %cond3A_116 = arith.constant 0 : i32
    %cond3A_117 = arith.cmpi ne, %convert_element_type3A_115, %cond3A_116 : i32
    scf.if %cond3A_117 {
      %run_scoped3A = arith.constant 0 : i32
      "tpu.region"() ({
        %run_scoped3A_143 = tpu.sem_alloc : memref<!tpu.dma_semaphore, #tpu.memory_space<semaphore_mem>>
        %dma_start3A_144 = tpu.memref_slice %arg6[%run_scoped3A, %mul3A_29] : memref<1x128xf32, #tpu.memory_space<hbm>> -> memref<1x64xf32, #tpu.memory_space<hbm>>
        %dma_start3A_145 = tpu.memref_squeeze %dma_start3A_144 : memref<1x64xf32, #tpu.memory_space<hbm>> -> memref<64xf32, #tpu.memory_space<hbm>>
        %dma_start3A_146 = tpu.memref_slice %arg6[%run_scoped3A, %mul3A_29] : memref<1x128xf32, #tpu.memory_space<hbm>> -> memref<1x64xf32, #tpu.memory_space<hbm>>
        %dma_start3A_147 = tpu.memref_squeeze %dma_start3A_146 : memref<1x64xf32, #tpu.memory_space<hbm>> -> memref<64xf32, #tpu.memory_space<hbm>>
        tpu.enqueue_dma source(%arg14 : memref<64xf32, #tpu.memory_space<vmem>>) target(%dma_start3A_147 : memref<64xf32, #tpu.memory_space<hbm>>) target_semaphore(%run_scoped3A_143 : memref<!tpu.dma_semaphore, #tpu.memory_space<semaphore_mem>>)
        %dma_wait3A_148 = tpu.memref_slice %arg6[%run_scoped3A, %mul3A_29] : memref<1x128xf32, #tpu.memory_space<hbm>> -> memref<1x64xf32, #tpu.memory_space<hbm>>
        %dma_wait3A_149 = tpu.memref_squeeze %dma_wait3A_148 : memref<1x64xf32, #tpu.memory_space<hbm>> -> memref<64xf32, #tpu.memory_space<hbm>>
        %dma_wait3A_150 = tpu.memref_slice %arg6[%run_scoped3A, %mul3A_29] : memref<1x128xf32, #tpu.memory_space<hbm>> -> memref<1x64xf32, #tpu.memory_space<hbm>>
        %dma_wait3A_151 = tpu.memref_squeeze %dma_wait3A_150 : memref<1x64xf32, #tpu.memory_space<hbm>> -> memref<64xf32, #tpu.memory_space<hbm>>
        tpu.wait_dma2 semaphore(%run_scoped3A_143 : memref<!tpu.dma_semaphore, #tpu.memory_space<semaphore_mem>>) src(%arg14 : memref<64xf32, #tpu.memory_space<vmem>>) dst(%dma_wait3A_151 : memref<64xf32, #tpu.memory_space<hbm>>)
        tpu.yield
      }) : () -> ()
    } else {
    }
    %eq3A_118 = arith.constant 3 : i32
    %eq3A_119 = arith.cmpi eq, %select_n3A, %eq3A_118 : i32
    %convert_element_type3A_120 = arith.extui %eq3A_119 : i1 to i32
    %cond3A_121 = arith.constant 0 : i32
    %cond3A_122 = arith.cmpi ne, %convert_element_type3A_120, %cond3A_121 : i32
    scf.if %cond3A_122 {
      %run_scoped3A = arith.constant 0 : i32
      "tpu.region"() ({
        %run_scoped3A_143 = tpu.sem_alloc : memref<!tpu.dma_semaphore, #tpu.memory_space<semaphore_mem>>
        %dma_start3A_144 = tpu.memref_slice %arg7[%run_scoped3A, %mul3A_29] : memref<1x128xf32, #tpu.memory_space<hbm>> -> memref<1x64xf32, #tpu.memory_space<hbm>>
        %dma_start3A_145 = tpu.memref_squeeze %dma_start3A_144 : memref<1x64xf32, #tpu.memory_space<hbm>> -> memref<64xf32, #tpu.memory_space<hbm>>
        %dma_start3A_146 = tpu.memref_slice %arg7[%run_scoped3A, %mul3A_29] : memref<1x128xf32, #tpu.memory_space<hbm>> -> memref<1x64xf32, #tpu.memory_space<hbm>>
        %dma_start3A_147 = tpu.memref_squeeze %dma_start3A_146 : memref<1x64xf32, #tpu.memory_space<hbm>> -> memref<64xf32, #tpu.memory_space<hbm>>
        tpu.enqueue_dma source(%arg14 : memref<64xf32, #tpu.memory_space<vmem>>) target(%dma_start3A_147 : memref<64xf32, #tpu.memory_space<hbm>>) target_semaphore(%run_scoped3A_143 : memref<!tpu.dma_semaphore, #tpu.memory_space<semaphore_mem>>)
        %dma_wait3A_148 = tpu.memref_slice %arg7[%run_scoped3A, %mul3A_29] : memref<1x128xf32, #tpu.memory_space<hbm>> -> memref<1x64xf32, #tpu.memory_space<hbm>>
        %dma_wait3A_149 = tpu.memref_squeeze %dma_wait3A_148 : memref<1x64xf32, #tpu.memory_space<hbm>> -> memref<64xf32, #tpu.memory_space<hbm>>
        %dma_wait3A_150 = tpu.memref_slice %arg7[%run_scoped3A, %mul3A_29] : memref<1x128xf32, #tpu.memory_space<hbm>> -> memref<1x64xf32, #tpu.memory_space<hbm>>
        %dma_wait3A_151 = tpu.memref_squeeze %dma_wait3A_150 : memref<1x64xf32, #tpu.memory_space<hbm>> -> memref<64xf32, #tpu.memory_space<hbm>>
        tpu.wait_dma2 semaphore(%run_scoped3A_143 : memref<!tpu.dma_semaphore, #tpu.memory_space<semaphore_mem>>) src(%arg14 : memref<64xf32, #tpu.memory_space<vmem>>) dst(%dma_wait3A_151 : memref<64xf32, #tpu.memory_space<hbm>>)
        tpu.yield
      }) : () -> ()
    } else {
    }
    %eq3A_123 = arith.constant 4 : i32
    %eq3A_124 = arith.cmpi eq, %select_n3A, %eq3A_123 : i32
    %convert_element_type3A_125 = arith.extui %eq3A_124 : i1 to i32
    %cond3A_126 = arith.constant 0 : i32
    %cond3A_127 = arith.cmpi ne, %convert_element_type3A_125, %cond3A_126 : i32
    scf.if %cond3A_127 {
      %run_scoped3A = arith.constant 0 : i32
      "tpu.region"() ({
        %run_scoped3A_143 = tpu.sem_alloc : memref<!tpu.dma_semaphore, #tpu.memory_space<semaphore_mem>>
        %dma_start3A_144 = tpu.memref_slice %arg8[%run_scoped3A, %mul3A_29] : memref<1x128xf32, #tpu.memory_space<hbm>> -> memref<1x64xf32, #tpu.memory_space<hbm>>
        %dma_start3A_145 = tpu.memref_squeeze %dma_start3A_144 : memref<1x64xf32, #tpu.memory_space<hbm>> -> memref<64xf32, #tpu.memory_space<hbm>>
        %dma_start3A_146 = tpu.memref_slice %arg8[%run_scoped3A, %mul3A_29] : memref<1x128xf32, #tpu.memory_space<hbm>> -> memref<1x64xf32, #tpu.memory_space<hbm>>
        %dma_start3A_147 = tpu.memref_squeeze %dma_start3A_146 : memref<1x64xf32, #tpu.memory_space<hbm>> -> memref<64xf32, #tpu.memory_space<hbm>>
        tpu.enqueue_dma source(%arg14 : memref<64xf32, #tpu.memory_space<vmem>>) target(%dma_start3A_147 : memref<64xf32, #tpu.memory_space<hbm>>) target_semaphore(%run_scoped3A_143 : memref<!tpu.dma_semaphore, #tpu.memory_space<semaphore_mem>>)
        %dma_wait3A_148 = tpu.memref_slice %arg8[%run_scoped3A, %mul3A_29] : memref<1x128xf32, #tpu.memory_space<hbm>> -> memref<1x64xf32, #tpu.memory_space<hbm>>
        %dma_wait3A_149 = tpu.memref_squeeze %dma_wait3A_148 : memref<1x64xf32, #tpu.memory_space<hbm>> -> memref<64xf32, #tpu.memory_space<hbm>>
        %dma_wait3A_150 = tpu.memref_slice %arg8[%run_scoped3A, %mul3A_29] : memref<1x128xf32, #tpu.memory_space<hbm>> -> memref<1x64xf32, #tpu.memory_space<hbm>>
        %dma_wait3A_151 = tpu.memref_squeeze %dma_wait3A_150 : memref<1x64xf32, #tpu.memory_space<hbm>> -> memref<64xf32, #tpu.memory_space<hbm>>
        tpu.wait_dma2 semaphore(%run_scoped3A_143 : memref<!tpu.dma_semaphore, #tpu.memory_space<semaphore_mem>>) src(%arg14 : memref<64xf32, #tpu.memory_space<vmem>>) dst(%dma_wait3A_151 : memref<64xf32, #tpu.memory_space<hbm>>)
        tpu.yield
      }) : () -> ()
    } else {
    }
    %eq3A_128 = arith.constant 5 : i32
    %eq3A_129 = arith.cmpi eq, %select_n3A, %eq3A_128 : i32
    %convert_element_type3A_130 = arith.extui %eq3A_129 : i1 to i32
    %cond3A_131 = arith.constant 0 : i32
    %cond3A_132 = arith.cmpi ne, %convert_element_type3A_130, %cond3A_131 : i32
    scf.if %cond3A_132 {
      %run_scoped3A = arith.constant 0 : i32
      "tpu.region"() ({
        %run_scoped3A_143 = tpu.sem_alloc : memref<!tpu.dma_semaphore, #tpu.memory_space<semaphore_mem>>
        %dma_start3A_144 = tpu.memref_slice %arg9[%run_scoped3A, %mul3A_29] : memref<1x128xf32, #tpu.memory_space<hbm>> -> memref<1x64xf32, #tpu.memory_space<hbm>>
        %dma_start3A_145 = tpu.memref_squeeze %dma_start3A_144 : memref<1x64xf32, #tpu.memory_space<hbm>> -> memref<64xf32, #tpu.memory_space<hbm>>
        %dma_start3A_146 = tpu.memref_slice %arg9[%run_scoped3A, %mul3A_29] : memref<1x128xf32, #tpu.memory_space<hbm>> -> memref<1x64xf32, #tpu.memory_space<hbm>>
        %dma_start3A_147 = tpu.memref_squeeze %dma_start3A_146 : memref<1x64xf32, #tpu.memory_space<hbm>> -> memref<64xf32, #tpu.memory_space<hbm>>
        tpu.enqueue_dma source(%arg14 : memref<64xf32, #tpu.memory_space<vmem>>) target(%dma_start3A_147 : memref<64xf32, #tpu.memory_space<hbm>>) target_semaphore(%run_scoped3A_143 : memref<!tpu.dma_semaphore, #tpu.memory_space<semaphore_mem>>)
        %dma_wait3A_148 = tpu.memref_slice %arg9[%run_scoped3A, %mul3A_29] : memref<1x128xf32, #tpu.memory_space<hbm>> -> memref<1x64xf32, #tpu.memory_space<hbm>>
        %dma_wait3A_149 = tpu.memref_squeeze %dma_wait3A_148 : memref<1x64xf32, #tpu.memory_space<hbm>> -> memref<64xf32, #tpu.memory_space<hbm>>
        %dma_wait3A_150 = tpu.memref_slice %arg9[%run_scoped3A, %mul3A_29] : memref<1x128xf32, #tpu.memory_space<hbm>> -> memref<1x64xf32, #tpu.memory_space<hbm>>
        %dma_wait3A_151 = tpu.memref_squeeze %dma_wait3A_150 : memref<1x64xf32, #tpu.memory_space<hbm>> -> memref<64xf32, #tpu.memory_space<hbm>>
        tpu.wait_dma2 semaphore(%run_scoped3A_143 : memref<!tpu.dma_semaphore, #tpu.memory_space<semaphore_mem>>) src(%arg14 : memref<64xf32, #tpu.memory_space<vmem>>) dst(%dma_wait3A_151 : memref<64xf32, #tpu.memory_space<hbm>>)
        tpu.yield
      }) : () -> ()
    } else {
    }
    %eq3A_133 = arith.constant 6 : i32
    %eq3A_134 = arith.cmpi eq, %select_n3A, %eq3A_133 : i32
    %convert_element_type3A_135 = arith.extui %eq3A_134 : i1 to i32
    %cond3A_136 = arith.constant 0 : i32
    %cond3A_137 = arith.cmpi ne, %convert_element_type3A_135, %cond3A_136 : i32
    scf.if %cond3A_137 {
      %run_scoped3A = arith.constant 0 : i32
      "tpu.region"() ({
        %run_scoped3A_143 = tpu.sem_alloc : memref<!tpu.dma_semaphore, #tpu.memory_space<semaphore_mem>>
        %dma_start3A_144 = tpu.memref_slice %arg10[%run_scoped3A, %mul3A_29] : memref<1x128xf32, #tpu.memory_space<hbm>> -> memref<1x64xf32, #tpu.memory_space<hbm>>
        %dma_start3A_145 = tpu.memref_squeeze %dma_start3A_144 : memref<1x64xf32, #tpu.memory_space<hbm>> -> memref<64xf32, #tpu.memory_space<hbm>>
        %dma_start3A_146 = tpu.memref_slice %arg10[%run_scoped3A, %mul3A_29] : memref<1x128xf32, #tpu.memory_space<hbm>> -> memref<1x64xf32, #tpu.memory_space<hbm>>
        %dma_start3A_147 = tpu.memref_squeeze %dma_start3A_146 : memref<1x64xf32, #tpu.memory_space<hbm>> -> memref<64xf32, #tpu.memory_space<hbm>>
        tpu.enqueue_dma source(%arg14 : memref<64xf32, #tpu.memory_space<vmem>>) target(%dma_start3A_147 : memref<64xf32, #tpu.memory_space<hbm>>) target_semaphore(%run_scoped3A_143 : memref<!tpu.dma_semaphore, #tpu.memory_space<semaphore_mem>>)
        %dma_wait3A_148 = tpu.memref_slice %arg10[%run_scoped3A, %mul3A_29] : memref<1x128xf32, #tpu.memory_space<hbm>> -> memref<1x64xf32, #tpu.memory_space<hbm>>
        %dma_wait3A_149 = tpu.memref_squeeze %dma_wait3A_148 : memref<1x64xf32, #tpu.memory_space<hbm>> -> memref<64xf32, #tpu.memory_space<hbm>>
        %dma_wait3A_150 = tpu.memref_slice %arg10[%run_scoped3A, %mul3A_29] : memref<1x128xf32, #tpu.memory_space<hbm>> -> memref<1x64xf32, #tpu.memory_space<hbm>>
        %dma_wait3A_151 = tpu.memref_squeeze %dma_wait3A_150 : memref<1x64xf32, #tpu.memory_space<hbm>> -> memref<64xf32, #tpu.memory_space<hbm>>
        tpu.wait_dma2 semaphore(%run_scoped3A_143 : memref<!tpu.dma_semaphore, #tpu.memory_space<semaphore_mem>>) src(%arg14 : memref<64xf32, #tpu.memory_space<vmem>>) dst(%dma_wait3A_151 : memref<64xf32, #tpu.memory_space<hbm>>)
        tpu.yield
      }) : () -> ()
    } else {
    }
    %eq3A_138 = arith.constant 7 : i32
    %eq3A_139 = arith.cmpi eq, %select_n3A, %eq3A_138 : i32
    %convert_element_type3A_140 = arith.extui %eq3A_139 : i1 to i32
    %cond3A_141 = arith.constant 0 : i32
    %cond3A_142 = arith.cmpi ne, %convert_element_type3A_140, %cond3A_141 : i32
    scf.if %cond3A_142 {
      %run_scoped3A = arith.constant 0 : i32
      "tpu.region"() ({
        %run_scoped3A_143 = tpu.sem_alloc : memref<!tpu.dma_semaphore, #tpu.memory_space<semaphore_mem>>
        %dma_start3A_144 = tpu.memref_slice %arg11[%run_scoped3A, %mul3A_29] : memref<1x128xf32, #tpu.memory_space<hbm>> -> memref<1x64xf32, #tpu.memory_space<hbm>>
        %dma_start3A_145 = tpu.memref_squeeze %dma_start3A_144 : memref<1x64xf32, #tpu.memory_space<hbm>> -> memref<64xf32, #tpu.memory_space<hbm>>
        %dma_start3A_146 = tpu.memref_slice %arg11[%run_scoped3A, %mul3A_29] : memref<1x128xf32, #tpu.memory_space<hbm>> -> memref<1x64xf32, #tpu.memory_space<hbm>>
        %dma_start3A_147 = tpu.memref_squeeze %dma_start3A_146 : memref<1x64xf32, #tpu.memory_space<hbm>> -> memref<64xf32, #tpu.memory_space<hbm>>
        tpu.enqueue_dma source(%arg14 : memref<64xf32, #tpu.memory_space<vmem>>) target(%dma_start3A_147 : memref<64xf32, #tpu.memory_space<hbm>>) target_semaphore(%run_scoped3A_143 : memref<!tpu.dma_semaphore, #tpu.memory_space<semaphore_mem>>)
        %dma_wait3A_148 = tpu.memref_slice %arg11[%run_scoped3A, %mul3A_29] : memref<1x128xf32, #tpu.memory_space<hbm>> -> memref<1x64xf32, #tpu.memory_space<hbm>>
        %dma_wait3A_149 = tpu.memref_squeeze %dma_wait3A_148 : memref<1x64xf32, #tpu.memory_space<hbm>> -> memref<64xf32, #tpu.memory_space<hbm>>
        %dma_wait3A_150 = tpu.memref_slice %arg11[%run_scoped3A, %mul3A_29] : memref<1x128xf32, #tpu.memory_space<hbm>> -> memref<1x64xf32, #tpu.memory_space<hbm>>
        %dma_wait3A_151 = tpu.memref_squeeze %dma_wait3A_150 : memref<1x64xf32, #tpu.memory_space<hbm>> -> memref<64xf32, #tpu.memory_space<hbm>>
        tpu.wait_dma2 semaphore(%run_scoped3A_143 : memref<!tpu.dma_semaphore, #tpu.memory_space<semaphore_mem>>) src(%arg14 : memref<64xf32, #tpu.memory_space<vmem>>) dst(%dma_wait3A_151 : memref<64xf32, #tpu.memory_space<hbm>>)
        tpu.yield
      }) : () -> ()
    } else {
    }
    return
  }
}

</mosaic_0001>

<sc_bundles>
// kernel: kernel.3.cloned.1.call-start
scs
__scs_entry_jumppad:
0x0: {  	(pc) =	sbr.rel $0x88, $3  }
0x1: {  	(tag) =	ssettag $0x0;
	lr =	simm.s32 $0x1  }
0x2: {  	[smem:$0x3F9F] =	sst lr;
	_ =	strace $0xD0000000  }
0x3: {  	_ = 	snop  }
0x4: {  	_ = 	snop  }
0x5: {  	_ = 	snop  }
0x6: {  	_ = 	snop  }
0x7: {  	_ = 	snop  }
__scs_overlays_trampoline_lowered:
0x8: {  	[smem:$0x3FAE] =	sst s0  }
0x9: {  	[smem:$0x3FAF] =	sst s1  }
0xa: {  	[smem:$0x3FB0] =	sst s2  }
0xb: {  	[smem:$0x3FB1] =	sst s3  }
0xc: {  	[smem:$0x3FB2] =	sst s4  }
0xd: {  	[smem:$0x3FB3] =	sst s5  }
0xe: {  	[smem:$0x3FB4] =	sst s6  }
0xf: {  	[smem:$0x3FB5] =	sst s7  }
0x10: {  	[smem:$0x3FB6] =	sst s8  }
0x11: {  	[smem:$0x3FB7] =	sst s9;
	s0 =	simm.s32 @!p0 $0x0  }
0x12: {  	s1 =	sld [smem:$0x3F9D];
	s0 =	simm.s32 @p0 $0x1  }
0x13: {  	[smem:$0x3FB8] =	sst s0;
	s0 =	simm.s32 @!p1 $0x0  }
0x14: {  	s2 =	sld [smem:$0x3F9C];
	s0 =	simm.s32 @p1 $0x1  }
0x15: {  	[smem:$0x3FB9] =	sst s0;
	s0 =	simm.s32 @!p2 $0x0  }
0x16: {  	s3 =	sld [smem:$0x3FDB];
	s0 =	simm.s32 @p2 $0x1  }
0x17: {  	s4 =	simm.s32 $0x1BF5;
	[smem:$0x3FBB] =	sst s0  }
0x18: {  	s0 =	sld [smem:$0x3F9E];
	_ =	swait.ge [sflag:s4], $0x0  }
0x19: {  	s7 =	sld [smem:$0x3F9F]  }
0x1a: {  	s8 =	sadd.s32 $0xFFFFE003, lr  }
0x1b: {  	s9 =	sadd.s32 $0xFFFFFEF7, lr;
	s5 =	simm.s32 $0xFFFFFFFF;
	p2 =	slt.u32 s8, $0xFFFFF086  }
0x1c: {  	p1 =	slt.u32 s9, $0xF7A;
	s5 =	simm.s32 @!p2 $0x0  }
0x1d: {  	s5 =	simm.s32 @p1 $0x1;
	p0 =	seq.s32 s7, s2  }
0x1e: {  	s7 =	smul.u32 @!p0 $0xF7A, s2;
	p2 =	seq.s32 @!p0 s5, $0x0  }
0x1f: {  	s9 =	smul.u32 $0xF7A, s1;
	s8 =	simm.s32 @!p0 $0x1BF5;
	p2 =	por !p2, p0  }
0x20: {  	[sflag:s8] =	ssyncset.s32 @!p0 $0xFFFFF086;
	s6 =	sadd.s32 @!p0 s3, s7;
	s7 =	simm.s32 @!p0 $0x108  }
0x21: {  	s3 =	sadd.s32 s3, s9;
	s6 =	sadd.s32 @!p0 $0x88, s6;
	s7 =	simm.s32 @p2 $0x1082  }
0x22: {  	[simem:s7], [sflag:s8] =	dma.local @!p0 [hbm:s6], $0xF7A  }
0x23: {  	s9 =	sor.u32 $0xD0000000, s2;
	s6 =	simm.s32 $0x108;
	_ =	swait.ge @!p0 [sflag:s8], $0x0  }
0x24: {  	s3 =	sadd.s32 $0x88, s3;
	s6 =	simm.s32 @!p1 $0x1082;
	[sflag:s4] =	ssyncset.s32 $0xFFFFF086  }
0x25: {  	[simem:s6], [sflag:s4] =	dma.local [hbm:s3], $0xF7A  }
0x26: {  	[smem:$0x3F9F] =	sst s1;
	(tag) =	ssettag s2;
	_ =	strace s9  }
0x27: {  	s1 =	sld [smem:$0x3FAF]  }
0x28: {  	s2 =	sld [smem:$0x3FB0]  }
0x29: {  	s4 =	sld [smem:$0x3FB2]  }
0x2a: {  	p0 =	seq.s32 s5, $0x0;
	s5 =	sld [smem:$0x3FB3]  }
0x2b: {  	s6 =	sld [smem:$0x3FB4]  }
0x2c: {  	s7 =	sld [smem:$0x3FB5]  }
0x2d: {  	s3 =	simm.s32 $0x108;
	s8 =	sld [smem:$0x3FB6]  }
0x2e: {  	s3 =	simm.s32 @!p0 $0x1082;
	s9 =	sld [smem:$0x3FB7]  }
0x2f: {  	lr =	sadd.s32 s0, s3;
	s0 =	sld [smem:$0x3FAE]  }
0x30: {  	s3 =	sld [smem:$0x3FB1]  }
0x31: {  	[smem:$0x3FBA] =	sst s10  }
0x32: {  	s10 =	sld [smem:$0x3FB8];
	_ =	sdelay $0x3  }
0x33: {  	p0 =	seq.s32 s10, $0x1;
	s10 =	sld [smem:$0x3FBA];
	_ =	sdelay $0x3  }
0x34: {  	[smem:$0x3FBA] =	sst s10  }
0x35: {  	s10 =	sld [smem:$0x3FB9];
	_ =	sdelay $0x3  }
0x36: {  	p1 =	seq.s32 s10, $0x1;
	s10 =	sld [smem:$0x3FBA];
	_ =	sdelay $0x3  }
0x37: {  	[smem:$0x3FBA] =	sst s10  }
0x38: {  	s10 =	sld [smem:$0x3FBB]  }
0x39: {  	_ = 	snop;
	(pc) =	sbr.ind lr, $3  }
0x3a: {  	_ = 	snop  }
0x3b: {  	_ = 	snop  }
0x3c: {  	p2 =	seq.s32 s10, $0x1;
	s10 =	sld [smem:$0x3FBA]  }
0x3d: {  	_ =	shalt  }
0x3e: {  	_ =	shalt  }
0x3f: {  	_ =	shalt  }
0x40: {  	_ =	shalt  }
0x41: {  	_ =	shalt  }
0x42: {  	_ =	shalt  }
0x43: {  	_ =	shalt  }
0x44: {  	_ =	shalt  }
0x45: {  	_ =	shalt  }
0x46: {  	_ =	shalt  }
0x47: {  	_ =	shalt  }
0x48: {  	_ =	shalt  }
0x49: {  	_ =	shalt  }
0x4a: {  	_ =	shalt  }
0x4b: {  	_ =	shalt  }
0x4c: {  	_ =	shalt  }
0x4d: {  	_ =	shalt  }
0x4e: {  	_ =	shalt  }
0x4f: {  	_ =	shalt  }
0x50: {  	_ =	shalt  }
0x51: {  	_ =	shalt  }
0x52: {  	_ =	shalt  }
0x53: {  	_ =	shalt  }
0x54: {  	_ =	shalt  }
0x55: {  	_ =	shalt  }
0x56: {  	_ =	shalt  }
0x57: {  	_ =	shalt  }
0x58: {  	_ =	shalt  }
0x59: {  	_ =	shalt  }
0x5a: {  	_ =	shalt  }
0x5b: {  	_ =	shalt  }
0x5c: {  	_ =	shalt  }
0x5d: {  	_ =	shalt  }
0x5e: {  	_ =	shalt  }
0x5f: {  	_ =	shalt  }
0x60: {  	_ =	shalt  }
0x61: {  	_ =	shalt  }
0x62: {  	_ =	shalt  }
0x63: {  	_ =	shalt  }
0x64: {  	_ =	shalt  }
0x65: {  	_ =	shalt  }
0x66: {  	_ =	shalt  }
0x67: {  	_ =	shalt  }
0x68: {  	_ =	shalt  }
0x69: {  	_ =	shalt  }
0x6a: {  	_ =	shalt  }
0x6b: {  	_ =	shalt  }
0x6c: {  	_ =	shalt  }
0x6d: {  	_ =	shalt  }
0x6e: {  	_ =	shalt  }
0x6f: {  	_ =	shalt  }
0x70: {  	_ =	shalt  }
0x71: {  	_ =	shalt  }
0x72: {  	_ =	shalt  }
0x73: {  	_ =	shalt  }
0x74: {  	_ =	shalt  }
0x75: {  	_ =	shalt  }
0x76: {  	_ =	shalt  }
0x77: {  	_ =	shalt  }
0x78: {  	_ =	shalt  }
0x79: {  	_ =	shalt  }
0x7a: {  	_ =	shalt  }
0x7b: {  	_ =	shalt  }
0x7c: {  	_ =	shalt  }
0x7d: {  	_ =	shalt  }
0x7e: {  	_ =	shalt  }
0x7f: {  	_ =	shalt  }
0x80: {  	_ =	shalt  }
0x81: {  	_ =	shalt  }
0x82: {  	_ =	shalt  }
0x83: {  	_ =	shalt  }
0x84: {  	_ =	shalt  }
0x85: {  	_ =	shalt  }
0x86: {  	_ =	shalt  }
0x87: {  	_ =	shalt  }
.Lfunc_end0:
.L_simem_size_0:
called_computation_lowered:
.L_overlay_start_0:
0x88: {  	s0 =	sld [smem:$0x3FD9]  }
0x89: {  	s1 =	sld [smem:$0x3FFE];
	_ =	sdelay $0x3  }
0x8a: {  	s0 =	sadd.s32 s1, s0  }
0x8b: {  	[smem:$0x3FC6] =	sst s0  }
0x8c: {  	_ = 	snop  }
0x8d: {  	s0 =	sld [smem:$0x3FD0];
	_ =	sdelay $0x2  }
0x8e: {  	s2 =	simm.s32 $0xA;
	s3 =	simm.s32 $0x10;
	s31 =	sld [smem:$0x3FC9]  }
0x8f: {  	[smem:s3], [sflag:s2] =	dma.local [hbm:s0], $0x1  }
0x90: {  	_ =	swait.eq [sflag:s2], $0x1  }
0x91: {  	s14 =	sld [smem:$0x10]  }
0x92: {  	s15 =	sld [smem:$0x11]  }
0x93: {  	s4 =	sld [smem:$0x12]  }
0x94: {  	s5 =	sld [smem:$0x13]  }
0x95: {  	s6 =	sld [smem:$0x14]  }
0x96: {  	s7 =	sld [smem:$0x15];
	[sflag:s2] =	ssyncset.done $0x0  }
0x97: {  	s8 =	sld [smem:$0x16];
	[sflag:s2] =	ssyncadd.s32 $0xFFFFFFFF  }
0x98: {  	s16 =	sld [smem:$0x17];
	(tm) =	ssettm $0x1  }
0x99: {  	s9 =	sld [smem:$0x3FFB];
	_ =	sdelay $0x3  }
0x9a: {  	_ =	strace s9  }
0x9b: {  	s9 =	sld [smem:$0x3FFC];
	_ =	sdelay $0x3  }
0x9c: {  	_ =	strace s9  }
0x9d: {  	s9 =	sld [smem:$0x3FFD];
	_ =	sdelay $0x3  }
0x9e: {  	_ =	strace s9  }
0x9f: {  	_ =	strace $0x8FFFFFFF  }
0xa0: {  	s17 =	sld [smem:$0x3FDB];
	_ =	sdelay $0x1  }
0xa1: {  	s10 =	simm.s32 $_scs_section_size  }
0xa2: {  	s11 =	simm.s32 $_size__tile_overlayer_lowered;
	s12 =	simm.s32 $_tile_overlayer_lowered  }
0xa3: {  	s20 =	simm.s32 $0x1BFF;
	s19 =	sshll.u32 s12, $0x1;
	s9 =	sadd.s32 s10, s17  }
0xa4: {  	s13 =	simm.s32 $0x0;
	s18 =	sshll.u32 s11, $0x1;
	s11 =	sadd.s32 s19, s9  }
0xa5: {  	[timem:s13], [sflag:s20] =	dma.local [hbm:s11], s18  }
0xa6: {  	_ =	swait.ge [sflag:s20], s18  }
0xa7: {  	s10 =	ssub.s32 $0x0, s18;
	[sflag:s20] =	ssyncset.done $0x0  }
0xa8: {  	[sflag:s20] =	ssyncadd.s32 s10;
	_ =	sdelay $0x1  }
0xa9: {  	s21 =	simm.s32 $0x1B8B  }
0xaa: {  	_ =	swait.ge [sflag:s21], $0x1  }
0xab: {  	[sflag:s21] =	ssyncset.done $0x0  }
0xac: {  	s23 =	simm.s32 $0x1B8E;
	s22 =	sld [smem:$0x3FFE];
	[sflag:s21] =	ssyncadd.s32 $0xFFFFFFFF  }
0xad: {  	s24 =	simm.s32 $execute0_lowered;
	[smem:$0x3FD2] =	sst s23  }
0xae: {  	s11 =	sshll.u32 s24, $0x1;
	_ =	strace $0x80000046;
	[dreg:$0x1] =	wrdreg $0xFFFFFFFF  }
0xaf: {  	s25 =	simm.s32 $_size_execute0_lowered;
	s9 =	sadd.s32 s9, s11;
	[dreg:$0x0] =	wrdreg $0x0  }
0xb0: {  	s11 =	sshll.u32 s25, $0x1;
	[dreg:$0x2] =	wrdreg s9  }
0xb1: {  	[dreg:$0x3] =	wrdreg s11  }
0xb2: {  	[dreg:$0x4] =	wrdreg $0xC0  }
0xb3: {  	_ =	task [dreg:s13], $0x5FFFF  }
0xb4: {  	[dreg:$0x1] =	wrdreg $0xFFFFFFFF  }
0xb5: {  	[dreg:$0x0] =	wrdreg $0x60  }
0xb6: {  	[dreg:$0x2] =	wrdreg s31  }
0xb7: {  	[dreg:$0x3] =	wrdreg s22  }
0xb8: {  	[dreg:$0x4] =	wrdreg s14  }
0xb9: {  	[dreg:$0x5] =	wrdreg s15  }
0xba: {  	[dreg:$0x6] =	wrdreg s4  }
0xbb: {  	[dreg:$0x7] =	wrdreg s5  }
0xbc: {  	[dreg:$0x8] =	wrdreg s6  }
0xbd: {  	[dreg:$0x9] =	wrdreg s7  }
0xbe: {  	[dreg:$0xa] =	wrdreg s8  }
0xbf: {  	[dreg:$0xb] =	wrdreg s16  }
0xc0: {  	[dreg:$0xc] =	wrdreg $0x9  }
0xc1: {  	_ =	task.clear_ibuf [dreg:s13], $0xDFFFF;
	_ =	strace $0x90000046  }
0xc2: {  	s26 =	simm.s32 $0x9;
	_ =	strace $0x80000048  }
0xc3: {  	_ =	swait.ge [sflag:s26], $0x1  }
0xc4: {  	[sflag:s26] =	ssyncadd.s32 $0xFFFFFFFF  }
0xc5: {  	_ =	strace $0x90000048  }
0xc6: {  	_ =	sfence  }
0xc7: {  	s28 =	sld [smem:$0x0];
	_ =	sdelay $0x1  }
0xc8: {  	s29 =	srdreg.scid  }
0xc9: {  	s30 =	sshll.u32 s29, $0xD;
	s31 =	sshrl.u32 s29, $0x2  }
0xca: {  	s1 =	sand.u32 $0x1, s29;
	s2 =	sand.u32 $0x4000, s30;
	s0 =	sadd.s32 s31, s28  }
0xcb: {  	s1 =	sor.u32 s2, s1;
	s0 =	sshll.u32 s0, $0x11  }
0xcc: {  	s0 =	sor.u32 s0, s1  }
0xcd: {  	s0 =	sadd.s32 $0x8F2B, s0  }
0xce: {  	[sflag:s0] =	ssyncadd.remote.s32 $0x1  }
0xcf: {  	_ =	sfence.sel $0xFFFF  }
0xd0: {  	[dreg:$0x0] =	wrdreg $0xFFFFFFFF;
	(pc) =	sbr.abs _section_cstart, $3  }
0xd1: {  	[dreg:$0x1] =	wrdreg $0xFFFFFFFF  }
0xd2: {  	_ =	task.clear_ibuf [dreg:s13], $0x2FFFF;
	_ =	strace $0x9FFFFFFF  }
0xd3: {  	(tm) =	ssettm $0x7FFFFFFF  }
tec
execute0_lowered:
.L_overlay_start_1:
0x0: {  	(tag) =	ssettag $0x1  }
0x1: {  	s12 =	rddreg [dreg:$0x0]  }
0x2: {  	s9 =	rddreg [dreg:$0x1]  }
0x3: {  	s4 =	rddreg [dreg:$0x2]  }
0x4: {  	s3 =	rddreg [dreg:$0x3]  }
0x5: {  	s7 =	rddreg [dreg:$0x4]  }
0x6: {  	s2 =	rddreg [dreg:$0x5]  }
0x7: {  	s8 =	rddreg [dreg:$0x6]  }
0x8: {  	s6 =	rddreg [dreg:$0x7]  }
0x9: {  	s11 =	rddreg [dreg:$0x8]  }
0xa: {  	s5 =	rddreg [dreg:$0x9];
	s1 =	stileid.u32  }
0xb: {  	s0 =	rddreg [dreg:$0xa];
	s13 =	simm.s32 $0x0;
	s10 =	sshrl.u32 s1, $0x1  }
0xc: {  	[smem:$0x7FF] =	sst s13;
	s14 =	sshll.u32 s10, $0x3  }
0xd: {  	s25 =	simm.s32 $0x3;
	s9 =	sadd.s32 $0x800, s9;
	_ =	strace $0x80000047;
	v0 =	vmov s14  }
0xe: {  	[tilespmem:s13], [sflag:$0x3] =	stream.linear.gather [hbm4b:s9+s13], $0x40, $0x38;
	[tilespmem:$0x8080] =	vst v63  }
0xf: {  	_ =	swait.ge [sflag:s25], $0x40  }
0x10: {  	[sflag:s25] =	ssyncset.done $0x0  }
0x11: {  	[sflag:s25] =	ssyncadd.s32 $0xFFFFFFC0  }
0x12: {  	v0 =	vld.idx.msk [tilespmem:v0+s13+$0x0], $0xffff;
	_ =	sdelay $0x4  }
0x13: {  	v0 =	vxor.u32 $0x80000000, v0  }
0x14: {  	(xrf0) =	vmax.scan.msk.u32 $0xffff, v0;
	_ =	sdelay $0x5  }
0x15: {  	v0, _, _ =	vpop (xrf0)  }
0x16: {  	(v2sf) =	vpush v0, $0xF;
	_ =	sdelay $0xe  }
0x17: {  	s26 =	sshll.u32 s1, $0x6;
	s28 =	spop (v2sf)  }
0x18: {  	s9 =	sand.u32 $0x40, s26;
	s13 =	sshll.u32 s28, $0x10  }
0x19: {  	s13 =	sor.u32 s9, s13  }
0x1a: {  	s13 =	sshrl.u32 s13, $0x3  }
0x1b: {  	s29 =	simm.s32 $0x80;
	s30 =	simm.s32 $0x40;
	s12 =	sadd.s32 s12, s13  }
0x1c: {  	[tilespmem:s30], [sflag:$0x1] =	stream.strided.gather [hbm4b:s12+s30], $0x4000, s29, s30, $0x38;
	[tilespmem:$0x8080] =	vst v63  }
0x1d: {  	s15 =	simm.s32 $0x4040;
	s31 =	simm.s32 $0x1;
	s12 =	sadd.s32 $0x1000, s12  }
0x1e: {  	[tilespmem:s15], [sflag:$0x2] =	stream.strided.gather [hbm4b:s12+s30], $0x4000, s29, s30, $0x38;
	[tilespmem:$0x8080] =	vst v63  }
0x1f: {  	_ =	swait.ge [sflag:s31], $0x4000  }
0x20: {  	[sflag:s31] =	ssyncset.done $0x0  }
0x21: {  	s12 =	simm.s32 $0x0;
	[sflag:s31] =	ssyncadd.s32 $0xFFFFC000  }
0x22: {  	v3 =	vld [tilespmem:s12+$0x80]  }
0x23: {  	v2 =	vld [tilespmem:s12+$0x90]  }
0x24: {  	v0 =	vld [tilespmem:s12+$0x40]  }
0x25: {  	v6 =	vimm.f32 $0.0e+00;
	v4 =	vld [tilespmem:s12+$0x50]  }
0x26: {  	v7 =	vimm.f32 $0.0e+00;
	v8 =	vimm.f32 $0.0e+00;
	v9 =	vimm.f32 $0.0e+00;
	s13 =	simm.s32 $0x200;
	v5 =	vld [tilespmem:s12+$0x60]  }
.LBB2_1:
0x27: {  	p0 =	sne.s32 s13, $0xFE00;
	v1 =	vld [tilespmem:s12+$0x70];
	v10 =	vmov v3  }
0x28: {  	v11 =	vld [tilespmem:s12+$0xA0];
	v12 =	vmov v2  }
0x29: {  	v13 =	vld [tilespmem:s12+$0xB0];
	s12 =	sshra.s32 s13, $0x2  }
.Ltmp0:
0x2a: {  	v3 =	vld [tilespmem:s12+$0x80];
	(pc) =	sbr.rel @p0 .LBB2_1-.Ltmp0, $4  }
0x2b: {  	v6 =	vadd.f32 v0, v6;
	v7 =	vadd.f32 v4, v7;
	v2 =	vld [tilespmem:s12+$0x90]  }
0x2c: {  	v8 =	vadd.f32 v5, v8;
	v0 =	vld [tilespmem:s12+$0x40];
	v1 =	vadd.f32 v1, v9  }
0x2d: {  	v6 =	vadd.f32 v10, v6;
	v7 =	vadd.f32 v12, v7;
	v4 =	vld [tilespmem:s12+$0x50]  }
0x2e: {  	s13 =	sadd.s32 $0x200, s13;
	v8 =	vadd.f32 v11, v8;
	v5 =	vld [tilespmem:s12+$0x60];
	v9 =	vadd.f32 v13, v1  }
0x2f: {  	v10 =	vld [tilespmem:s12+$0x70]  }
0x30: {  	v11 =	vld [tilespmem:s12+$0xA0];
	s31 =	simm.s32 $0x2  }
0x31: {  	v12 =	vld [tilespmem:s12+$0xB0];
	_ =	swait.ge [sflag:s31], $0x4000  }
0x32: {  	[sflag:s31] =	ssyncset.done $0x0  }
0x33: {  	s12 =	simm.s32 $0x0;
	[sflag:s31] =	ssyncadd.s32 $0xFFFFC000  }
0x34: {  	v1 =	vld [tilespmem:s12+$0x4080]  }
0x35: {  	v6 =	vadd.f32 v0, v6;
	v7 =	vadd.f32 v4, v7;
	v0 =	vld [tilespmem:s12+$0x4090]  }
0x36: {  	v5 =	vadd.f32 v5, v8;
	v4 =	vld [tilespmem:s12+$0x4040];
	v9 =	vadd.f32 v10, v9  }
0x37: {  	v8 =	vadd.f32 v3, v6;
	v3 =	vld [tilespmem:s12+$0x4050];
	v7 =	vadd.f32 v2, v7  }
0x38: {  	s13 =	simm.s32 $0x200;
	v6 =	vld [tilespmem:s12+$0x4060];
	v5 =	vadd.f32 v11, v5;
	v2 =	vadd.f32 v12, v9  }
.LBB2_3:
0x39: {  	p0 =	sne.s32 s13, $0xFE00;
	v9 =	vld [tilespmem:s12+$0x4070];
	v10 =	vmov v1  }
0x3a: {  	v11 =	vld [tilespmem:s12+$0x40A0];
	v12 =	vmov v0  }
0x3b: {  	v13 =	vld [tilespmem:s12+$0x40B0];
	s12 =	sshra.s32 s13, $0x2  }
.Ltmp1:
0x3c: {  	v1 =	vld [tilespmem:s12+$0x4080];
	(pc) =	sbr.rel @p0 .LBB2_3-.Ltmp1, $4  }
0x3d: {  	v8 =	vadd.f32 v4, v8;
	v7 =	vadd.f32 v3, v7;
	v0 =	vld [tilespmem:s12+$0x4090]  }
0x3e: {  	v5 =	vadd.f32 v6, v5;
	v4 =	vld [tilespmem:s12+$0x4040];
	v2 =	vadd.f32 v9, v2  }
0x3f: {  	v8 =	vadd.f32 v10, v8;
	v7 =	vadd.f32 v12, v7;
	v3 =	vld [tilespmem:s12+$0x4050]  }
0x40: {  	s13 =	sadd.s32 $0x200, s13;
	v5 =	vadd.f32 v11, v5;
	v6 =	vld [tilespmem:s12+$0x4060];
	v2 =	vadd.f32 v13, v2  }
0x41: {  	p0 =	sgt.s32 s10, $0x3  }
0x42: {  	p3 =	sgt.s32 @p0 s10, $0x5  }
0x43: {  	p1 =	por !p3, !p0  }
0x44: {  	p2 =	seq.s32 @!p1 s10, $0x6  }
0x45: {  	p2 =	por @p0 !p2, !p3  }
0x46: {  	v9 =	vld [tilespmem:s12+$0x4070];
	p2 =	por !p2, !p0  }
0x47: {  	v10 =	vld [tilespmem:s12+$0x40A0];
	p4 =	sgt.s32 @!p0 s10, $0x1;
	s5 =	smov.u32 @p2 s11;
	p2 =	por p3, !p0  }
0x48: {  	v11 =	vld [tilespmem:s12+$0x40B0];
	v4 =	vadd.f32 v4, v8;
	p6 =	por p4, p0;
	p5 =	seq.s32 @!p2 s10, $0x4;
	p2 =	por !p4, p0  }
0x49: {  	v3 =	vadd.f32 v3, v7;
	p6 =	seq.s32 @!p6 s10, $0x0;
	p3 =	por @p0 !p5, p3;
	p5 =	seq.s32 @!p2 s10, $0x2  }
0x4a: {  	v5 =	vadd.f32 v6, v5;
	v1 =	vadd.f32 v1, v4;
	p5 =	por @!p0 !p5, !p4;
	p4 =	por @!p0 !p6, p4;
	p3 =	por !p3, !p0  }
0x4b: {  	v2 =	vadd.f32 v9, v2;
	v0 =	vadd.f32 v0, v3;
	s6 =	smov.u32 @p3 s8;
	p3 =	por !p5, p0;
	p4 =	por !p4, p0  }
0x4c: {  	v62 =	vadd.f32 v10, v5;
	[tilespmem:$0x8040] =	vst v1;
	s2 =	smov.u32 @p3 s7;
	s3 =	smov.u32 @p4 s4  }
0x4d: {  	v63 =	vadd.f32 v11, v2;
	[tilespmem:$0x8050] =	vst v0;
	s5 =	smov.u32 @p1 s6;
	s2 =	smov.u32 @p2 s3  }
0x4e: {  	s28 =	sshrl.u32 s9, $0x3;
	s29 =	simm.s32 $0x0;
	[tilespmem:$0x8060] =	vst v62;
	s2 =	smov.u32 @p0 s5  }
0x4f: {  	s30 =	simm.s32 $0x8040;
	s31 =	simm.s32 $0x3;
	[tilespmem:$0x8070] =	vst v63;
	s2 =	sadd.s32 s2, s28  }
0x50: {  	[hbm4b:s2+s29] =	stream.linear.scatter [tilespmem:s30], [sflag:$0x3], $0x40, $0x38;
	[tilespmem:$0x8080] =	vst v63  }
0x51: {  	_ =	swait.ge [sflag:s31], $0x40  }
0x52: {  	[sflag:s31] =	ssyncset.done $0x0  }
0x53: {  	[sflag:s31] =	ssyncadd.s32 $0xFFFFFFC0  }
0x54: {  	_ =	sfence.sel $0x180000  }
0x55: {  	[bflag:$0x0] =	sbarrier.arrive $0xFFFF  }
0x56: {  	p0 =	sne.s32 s1, $0x0;
	_ =	strace $0x90000047  }
0x57: {  	s0 =	sadd.s32 @!p0 $0x100000, s0;
	[bflag:$0x2] =	sbarrier.arrive $0xFFFF  }
0x58: {  	[sflag:s0] =	ssyncadd.tile.s32 @!p0 $0x1;
	_ =	shalt  }
.Lfunc_end2:
_tile_overlayer_lowered:
.L_overlay_start_2:
0x59: {  	(tag) =	ssettag $0x2  }
0x5a: {  	s0 =	rddreg [dreg:$0x0];
	s2 =	stileid.u32  }
0x5b: {  	s1 =	rddreg [dreg:$0x1];
	p0 =	sne.s32 s2, $0x0  }
0x5c: {  	s3 =	rddreg [dreg:$0x2];
	[bflag:$0x3] =	sbarrier.arrive $0xFFFF;
	s2 =	simm.s32 @!p0 $0x1C03  }
0x5d: {  	[timem:s3], [sflag:s2] =	dma.local @!p0 [hbm:s0], s1  }
0x5e: {  	s0 =	simm.s32 @!p0 $0x3  }
0x5f: {  	_ =	swait.ge @!p0 [sflag:s0], s1  }
0x60: {  	s1 =	ssub.s32 @!p0 $0x0, s1;
	[sflag:s0] =	ssyncset.done @!p0 $0x0  }
0x61: {  	[sflag:s0] =	ssyncadd.s32 @!p0 s1  }
0x62: {  	[bflag:$0x3] =	sbarrier.arrive $0xFFFF  }
0x63: {  	_ =	shalt  }

</sc_bundles>
